<compile_context>
chip_gen: v7x
topology: tpu7x:2x2x1
jax: 0.10.2.dev20260603
libtpu: 0.0.44.dev20260713+nightly
codegen_flags: <defaults>
</compile_context>

<pallas_src>
import functools

import jax
import jax.numpy as jnp
from jax import lax
from jax.experimental import pallas as pl
from jax.experimental.pallas import tpu as pltpu
from jax.experimental.pallas import tpu_sc as plsc

_N = 10000
_E = 320000
_D = 128
_NPAD = 10240
_NW = 32
_EPW = _E // _NW
_CH = 80
_NCHUNK = _EPW // _CH
_RPT = _NPAD // 16


def _sc_mesh():
    return plsc.VectorSubcoreMesh(
        core_axis_name="c", subcore_axis_name="s", num_cores=2, num_subcores=16
    )


_SC_PARAMS = pltpu.CompilerParams(needs_layout_passes=False)


def _wid():
    cid = lax.axis_index("c")
    sid = lax.axis_index("s")
    return cid, sid, sid * 2 + cid


def _deg_body(src_hbm, dst_hbm, w_hbm, src3_hbm, degp_hbm,
              src_f, dst_f, w_f, srcr_v, wp_v, zbuf, dsem, acc_sh):
    cid, sid, wid = _wid()

    def z16(i, _):
        zbuf[pl.ds(i * 16, 16)] = jnp.zeros((16,), jnp.float32)
        return 0
    lax.fori_loop(0, _RPT // 16, z16, 0)
    pltpu.sync_copy(zbuf, acc_sh.at[pl.ds(sid * _RPT, _RPT)])
    plsc.subcore_barrier()

    pltpu.async_copy(src_hbm.at[pl.ds(wid * _EPW, _EPW)], src_f, dsem)
    pltpu.async_copy(dst_hbm.at[pl.ds(wid * _EPW, _EPW)], dst_f, dsem)
    pltpu.async_copy(w_hbm.at[pl.ds(wid * _EPW, _EPW)], w_f, dsem)
    pltpu.async_copy(src3_hbm.at[wid], srcr_v, dsem)
    pltpu.make_async_copy(src_hbm.at[pl.ds(0, _EPW)], src_f, dsem).wait()
    pltpu.make_async_copy(dst_hbm.at[pl.ds(0, _EPW)], dst_f, dsem).wait()
    pltpu.make_async_copy(w_hbm.at[pl.ds(0, _EPW)], w_f, dsem).wait()
    pltpu.make_async_copy(src3_hbm.at[0], srcr_v, dsem).wait()

    def chunk(i, _):
        for j in range(_CH // 16):
            s = src_f[pl.ds(i * _CH + j * 16, 16)]
            d = dst_f[pl.ds(i * _CH + j * 16, 16)]
            wv = w_f[pl.ds(i * _CH + j * 16, 16)]
            wp_v[pl.ds(j * 16, 16)] = jnp.where(s != d, wv, 0.0)
        pltpu.sync_copy(wp_v, acc_sh.at[srcr_v.at[i]], add=True)
        return 0
    lax.fori_loop(0, _NCHUNK, chunk, 0)

    plsc.subcore_barrier()
    pltpu.sync_copy(acc_sh.at[pl.ds(sid * _RPT, _RPT)],
                    degp_hbm.at[cid, pl.ds(sid * _RPT, _RPT)])


@functools.partial(jax.jit, static_argnums=())
def _deg_call(src, dst, w, src3):
    f = pl.kernel(
        _deg_body,
        out_type=jax.ShapeDtypeStruct((2, _NPAD), jnp.float32),
        mesh=_sc_mesh(),
        compiler_params=_SC_PARAMS,
        scratch_types=[
            pltpu.VMEM((_EPW,), jnp.int32),
            pltpu.VMEM((_EPW,), jnp.int32),
            pltpu.VMEM((_EPW,), jnp.float32),
            pltpu.VMEM((_NCHUNK, _CH), jnp.int32),
            pltpu.VMEM((_CH,), jnp.float32),
            pltpu.VMEM((_RPT,), jnp.float32),
            pltpu.SemaphoreType.DMA,
            pltpu.VMEM_SHARED((_NPAD,), jnp.float32),
        ],
    )
    return f(src, dst, w, src3)


def _norm_body(src_hbm, dst_hbm, w_hbm, degp_hbm, norm_hbm,
               src_f, dst_f, w_f, dis_f, deg2_f, norm_f, sem):
    cid, sid, wid = _wid()
    pltpu.async_copy(degp_hbm.at[0], dis_f, sem)
    pltpu.async_copy(degp_hbm.at[1], deg2_f, sem)
    pltpu.async_copy(src_hbm.at[pl.ds(wid * _EPW, _EPW)], src_f, sem)
    pltpu.async_copy(dst_hbm.at[pl.ds(wid * _EPW, _EPW)], dst_f, sem)
    pltpu.async_copy(w_hbm.at[pl.ds(wid * _EPW, _EPW)], w_f, sem)
    pltpu.make_async_copy(degp_hbm.at[0], dis_f, sem).wait()
    pltpu.make_async_copy(degp_hbm.at[1], deg2_f, sem).wait()
    pltpu.make_async_copy(src_hbm.at[pl.ds(0, _EPW)], src_f, sem).wait()
    pltpu.make_async_copy(dst_hbm.at[pl.ds(0, _EPW)], dst_f, sem).wait()
    pltpu.make_async_copy(w_hbm.at[pl.ds(0, _EPW)], w_f, sem).wait()

    def mkdis(k, _):
        d = dis_f[pl.ds(k * 16, 16)] + deg2_f[pl.ds(k * 16, 16)]
        x = plsc.bitcast(
            jnp.full((16,), 0x5F3759DF, jnp.int32)
            - (plsc.bitcast(d, jnp.int32) >> 1), jnp.float32)
        for _i in range(3):
            x = x * (1.5 - 0.5 * d * x * x)
        dis_f[pl.ds(k * 16, 16)] = jnp.where(d > 0.0, x, 0.0)
        return 0
    lax.fori_loop(0, _NPAD // 16, mkdis, 0)

    def step(k, _):
        s = src_f[pl.ds(k * 16, 16)]
        d = dst_f[pl.ds(k * 16, 16)]
        wv = w_f[pl.ds(k * 16, 16)]
        g1 = plsc.load_gather(dis_f, [s])
        g2 = plsc.load_gather(dis_f, [d])
        wp = jnp.where(s != d, wv, 0.0)
        norm_f[pl.ds(k * 16, 16)] = -(g1 * wp * g2)
        return 0
    lax.fori_loop(0, _EPW // 16, step, 0)

    pltpu.sync_copy(norm_f, norm_hbm.at[pl.ds(wid * _EPW, _EPW)])


def _norm_call(src, dst, w, degp):
    f = pl.kernel(
        _norm_body,
        out_type=jax.ShapeDtypeStruct((_E,), jnp.float32),
        mesh=_sc_mesh(),
        compiler_params=_SC_PARAMS,
        scratch_types=[
            pltpu.VMEM((_EPW,), jnp.int32),
            pltpu.VMEM((_EPW,), jnp.int32),
            pltpu.VMEM((_EPW,), jnp.float32),
            pltpu.VMEM((_NPAD,), jnp.float32),
            pltpu.VMEM((_NPAD,), jnp.float32),
            pltpu.VMEM((_EPW,), jnp.float32),
            pltpu.SemaphoreType.DMA,
        ],
    )
    return f(src, dst, w, degp)


_QCH = 40
_EPT = _E // 16
_NCHT = _EPT // _QCH
_BCH = 20
_BE = _BCH * _QCH
_NBLK = _NCHT // _BCH


def _qprop_body(y_hbm, src_hbm, dst16_hbm, norm_hbm, o1_hbm, o2_hbm,
                sb0, db0, nb0, sb1, db1, nb1, in_a, in_b, out_a, out_b,
                sga, sgb, ssa, ssb, si0, si1, acc_sh):
    cid, sid, _ = _wid()
    off = cid * _NPAD

    def zero_out(buf):
        def zrow(e, _):
            for j in range(_D // 16):
                buf[e, pl.ds(j * 16, 16)] = jnp.zeros((16,), jnp.float32)
            return 0
        lax.fori_loop(0, _QCH, zrow, 0)

    def zero_acc():
        zero_out(out_a)
        zero_out(out_b)
        for k in range(_RPT // _QCH):
            pltpu.sync_copy(out_a,
                            acc_sh.at[pl.ds(sid * _RPT + k * _QCH, _QCH)])

    def stage(b, sb, db, nb_, sem):
        base = sid * _EPT + b * _BE
        pltpu.async_copy(src_hbm.at[pl.ds(base, _BE)], sb, sem)
        pltpu.async_copy(dst16_hbm.at[sid * _NBLK + b], db, sem)
        pltpu.async_copy(norm_hbm.at[pl.ds(base, _BE)], nb_, sem)

    def wait_stage(sb, db, nb_, sem):
        pltpu.make_async_copy(src_hbm.at[pl.ds(0, _BE)], sb, sem).wait()
        pltpu.make_async_copy(dst16_hbm.at[0], db, sem).wait()
        pltpu.make_async_copy(norm_hbm.at[pl.ds(0, _BE)], nb_, sem).wait()
        def adj(k, _):
            sb[pl.ds(k * 16, 16)] = sb[pl.ds(k * 16, 16)] + off
            return 0
        lax.fori_loop(0, _BE // 16, adj, 0)

    def block_body(table_hbm, sb, db, nb_):
        def start_g(c, buf, sem):
            pltpu.async_copy(table_hbm.at[sb.at[pl.ds(c * _QCH, _QCH)]],
                             buf, sem)

        def wait_g(buf, sem):
            pltpu.make_async_copy(table_hbm.at[sb.at[pl.ds(0, _QCH)]],
                                  buf, sem).wait()

        def start_s(c, buf, sem):
            pltpu.async_copy(buf, acc_sh.at[db.at[c]], sem, add=True)

        def wait_s(buf, sem):
            pltpu.make_async_copy(buf, acc_sh.at[db.at[0]], sem).wait()

        def scale(c, bin_, bout):
            def srow(t, _):
                e = 2 * t
                n0 = plsc.load_gather(
                    nb_, [jnp.full((16,), c * _QCH + e, jnp.int32)])
                n1 = plsc.load_gather(
                    nb_, [jnp.full((16,), c * _QCH + e + 1, jnp.int32)])
                for j in range(_D // 16):
                    bout[e, pl.ds(j * 16, 16)] = (
                        bin_[e, pl.ds(j * 16, 16)] * n0)
                for j in range(_D // 16):
                    bout[e + 1, pl.ds(j * 16, 16)] = (
                        bin_[e + 1, pl.ds(j * 16, 16)] * n1)
                return 0
            lax.fori_loop(0, _QCH // 2, srow, 0)

        start_g(0, in_a, sga)
        start_g(1, in_b, sgb)

        def pair(p, _):
            c = 2 * p
            wait_g(in_a, sga)
            wait_s(out_a, ssa)
            scale(c, in_a, out_a)
            start_s(c, out_a, ssa)
            start_g(c + 2, in_a, sga)
            wait_g(in_b, sgb)
            wait_s(out_b, ssb)
            scale(c + 1, in_b, out_b)
            start_s(c + 1, out_b, ssb)
            start_g(c + 3, in_b, sgb)
            return 0
        lax.fori_loop(0, _BCH // 2 - 1, pair, 0)

        c = _BCH - 2
        wait_g(in_a, sga)
        wait_s(out_a, ssa)
        scale(c, in_a, out_a)
        start_s(c, out_a, ssa)
        wait_g(in_b, sgb)
        wait_s(out_b, ssb)
        scale(c + 1, in_b, out_b)
        start_s(c + 1, out_b, ssb)

    def pipeline(table_hbm):
        stage(0, sb0, db0, nb0, si0)
        wait_stage(sb0, db0, nb0, si0)
        stage(1, sb1, db1, nb1, si1)
        pltpu.async_copy(out_a, acc_sh.at[db0.at[0]], ssa, add=True)
        pltpu.async_copy(out_b, acc_sh.at[db0.at[1]], ssb, add=True)
        block_body(table_hbm, sb0, db0, nb0)
        stage(2, sb0, db0, nb0, si0)

        def qblock(q, _):
            wait_stage(sb1, db1, nb1, si1)
            block_body(table_hbm, sb1, db1, nb1)
            stage(2 * q + 3, sb1, db1, nb1, si1)
            wait_stage(sb0, db0, nb0, si0)
            block_body(table_hbm, sb0, db0, nb0)
            stage(2 * q + 4, sb0, db0, nb0, si0)
            return 0
        lax.fori_loop(0, (_NBLK - 3) // 2, qblock, 0)

        wait_stage(sb1, db1, nb1, si1)
        block_body(table_hbm, sb1, db1, nb1)
        wait_stage(sb0, db0, nb0, si0)
        block_body(table_hbm, sb0, db0, nb0)
        pltpu.make_async_copy(out_a, acc_sh.at[db0.at[0]], ssa).wait()
        pltpu.make_async_copy(out_b, acc_sh.at[db0.at[1]], ssb).wait()

    zero_acc()
    plsc.subcore_barrier()
    pipeline(y_hbm)
    plsc.subcore_barrier()
    pltpu.sync_copy(acc_sh.at[pl.ds(sid * _RPT, _RPT)],
                    o1_hbm.at[pl.ds(off + sid * _RPT, _RPT)])
    zero_acc()
    plsc.subcore_barrier()
    pipeline(o1_hbm)
    plsc.subcore_barrier()
    pltpu.sync_copy(acc_sh.at[pl.ds(sid * _RPT, _RPT)],
                    o2_hbm.at[cid, pl.ds(sid * _RPT, _RPT)])


def _qprop_call(y2, src, dst16, norm):
    f = pl.kernel(
        _qprop_body,
        out_type=[
            jax.ShapeDtypeStruct((2 * _NPAD, _D), jnp.float32),
            jax.ShapeDtypeStruct((2, _NPAD, _D), jnp.float32),
        ],
        mesh=_sc_mesh(),
        compiler_params=_SC_PARAMS,
        scratch_types=[
            pltpu.VMEM((_BE,), jnp.int32),
            pltpu.VMEM((_BCH, _QCH), jnp.int32),
            pltpu.VMEM((_BE,), jnp.float32),
            pltpu.VMEM((_BE,), jnp.int32),
            pltpu.VMEM((_BCH, _QCH), jnp.int32),
            pltpu.VMEM((_BE,), jnp.float32),
            pltpu.VMEM((_QCH, _D), jnp.float32),
            pltpu.VMEM((_QCH, _D), jnp.float32),
            pltpu.VMEM((_QCH, _D), jnp.float32),
            pltpu.VMEM((_QCH, _D), jnp.float32),
            pltpu.SemaphoreType.DMA,
            pltpu.SemaphoreType.DMA,
            pltpu.SemaphoreType.DMA,
            pltpu.SemaphoreType.DMA,
            pltpu.SemaphoreType.DMA,
            pltpu.SemaphoreType.DMA,
            pltpu.VMEM_SHARED((_NPAD, _D), jnp.float32),
        ],
    )
    return f(y2, src, dst16, norm)


def _gates_body(x_ref, dp1_ref, dp2_ref, hx_ref,
                wx_ref, wh_ref, b_ref, wc_ref, out_ref):
    f32 = jnp.float32
    x = x_ref[...]
    X1 = dp1_ref[0]
    X2 = 2.0 * dp2_ref[0] - x
    Hh = hx_ref[0]
    Cc = hx_ref[1]
    H1 = dp1_ref[1]
    H2 = 2.0 * dp2_ref[1] - Hh
    Z = jnp.dot(x, wx_ref[0], preferred_element_type=f32)
    Z = Z + jnp.dot(X1, wx_ref[1], preferred_element_type=f32)
    Z = Z + jnp.dot(X2, wx_ref[2], preferred_element_type=f32)
    Z = Z + jnp.dot(Hh, wh_ref[0], preferred_element_type=f32)
    Z = Z + jnp.dot(H1, wh_ref[1], preferred_element_type=f32)
    Z = Z + jnp.dot(H2, wh_ref[2], preferred_element_type=f32)
    b = b_ref[0] + b_ref[1] + b_ref[2]
    Z = Z + b[None, :]
    wc = wc_ref[...]
    gi = jax.nn.sigmoid(Z[:, 0:_D] + wc[0:1] * Cc)
    gf = jax.nn.sigmoid(Z[:, _D:2 * _D] + wc[1:2] * Cc)
    gt = jnp.tanh(Z[:, 2 * _D:3 * _D])
    cn = gf * Cc + gi * gt
    go = jax.nn.sigmoid(Z[:, 3 * _D:4 * _D] + wc[2:3] * cn)
    out_ref[0] = go * jnp.tanh(cn)
    out_ref[1] = cn


def _gates_call(x, dP1, dP2, hx, Wx, Wh, Ball, wc3):
    blk = _N // 10
    return pl.pallas_call(
        _gates_body,
        grid=(10,),
        in_specs=[
            pl.BlockSpec((blk, _D), lambda i: (i, 0)),
            pl.BlockSpec((2, blk, _D), lambda i: (0, i, 0)),
            pl.BlockSpec((2, blk, _D), lambda i: (0, i, 0)),
            pl.BlockSpec((2, blk, _D), lambda i: (0, i, 0)),
            pl.BlockSpec((3, _D, 4 * _D), lambda i: (0, 0, 0)),
            pl.BlockSpec((3, _D, 4 * _D), lambda i: (0, 0, 0)),
            pl.BlockSpec((3, 4 * _D), lambda i: (0, 0)),
            pl.BlockSpec((3, _D), lambda i: (0, 0)),
        ],
        out_specs=pl.BlockSpec((2, blk, _D), lambda i: (0, i, 0)),
        out_shape=jax.ShapeDtypeStruct((2, _N, _D), jnp.float32),
    )(x, dP1, dP2, hx, Wx, Wh, Ball, wc3)


def kernel(input, edge_index, edge_weight, hx,
           W_xi, b_xi, W_hi, b_hi, W_xf, b_xf, W_hf, b_hf,
           W_xc, b_xc, W_hc, b_hc, W_xo, b_xo, W_ho, b_ho,
           w_c_i, w_c_f, w_c_o, b_i, b_f, b_c, b_o):
    src = edge_index[0]
    dst = edge_index[1]
    src3 = src.reshape(_NW, _NCHUNK, _CH)
    dst16 = dst.reshape(16 * _NBLK, _BCH, _QCH)

    degp = _deg_call(src, dst, edge_weight, src3)
    norm = _norm_call(src, dst, edge_weight, degp)

    y0 = jnp.concatenate(
        [jnp.stack([input, hx[0]]),
         jnp.zeros((2, _NPAD - _N, _D), jnp.float32)],
        axis=1).reshape(2 * _NPAD, _D)
    o1, dP2 = _qprop_call(y0, src, dst16, norm)
    dP1 = o1.reshape(2, _NPAD, _D)

    Wx = jnp.concatenate([W_xi, W_xf, W_xc, W_xo], axis=2)
    Wh = jnp.concatenate([W_hi, W_hf, W_hc, W_ho], axis=2)
    bx = jnp.concatenate([b_xi, b_xf, b_xc, b_xo])
    bh = jnp.concatenate([b_hi, b_hf, b_hc, b_ho])
    bg = jnp.concatenate([b_i, b_f, b_c, b_o], axis=1)[0]
    Ball = jnp.stack([bx, bh, bg])
    wc3 = jnp.concatenate([w_c_i, w_c_f, w_c_o], axis=0)

    out = _gates_call(input, dP1, dP2, hx, Wx, Wh, Ball, wc3)
    return (out[0], out[1])

# --- scband reference (transcript-rebuilt; emitter-appended) ---
"""Pipeline reference for scband-gconv-lstmcell-46643344834643 (READ-ONLY COPY).

The authoritative reference and input builder live on the scoring server;
editing this copy changes nothing except your own understanding.
"""

import jax, jax.numpy as jnp
import numpy as np

N = 10000
E = 320000
D_IN = 128
D_H = 128
K = 3

def _glorot(k, shape):
    fan = shape[-2] + shape[-1]
    s = (6.0 / fan) ** 0.5
    return jax.random.uniform(k, shape, minval=-s, maxval=s, dtype=jnp.float32)

def setup_inputs(seed: int = 0):
    key = jax.random.key(seed)
    ks = jax.random.split(key, 16)
    inp = {}
    inp["input"] = jax.random.normal(ks[0], (N, D_IN), dtype=jnp.float32)
    inp["edge_index"] = jax.random.randint(ks[1], (2, E), 0, N, dtype=jnp.int32)
    inp["edge_weight"] = jax.random.uniform(ks[2], (E,), dtype=jnp.float32)
    inp["hx"] = jax.random.normal(ks[3], (2, N, D_H), dtype=jnp.float32)
    gate_ins = [("xi", D_IN), ("hi", D_H), ("xf", D_IN), ("hf", D_H), ("xc", D_IN), ("hc", D_H), ("xo", D_IN), ("ho", D_H)]
    for i, (nm, din) in enumerate(gate_ins):
        inp["W_" + nm] = _glorot(jax.random.fold_in(ks[4], i), (K, din, D_H))
        inp["b_" + nm] = jnp.zeros((D_H,), jnp.float32)
    inp["w_c_i"] = _glorot(ks[5], (1, D_H))
    inp["w_c_f"] = _glorot(ks[6], (1, D_H))
    inp["w_c_o"] = _glorot(ks[7], (1, D_H))
    inp["b_i"] = jnp.zeros((1, D_H), jnp.float32)
    inp["b_f"] = jnp.zeros((1, D_H), jnp.float32)
    inp["b_c"] = jnp.zeros((1, D_H), jnp.float32)
    inp["b_o"] = jnp.zeros((1, D_H), jnp.float32)
    return inp

def _make_prop(edge_index, edge_weight, n):
    # ChebConv normalization with normalization='sym' and lambda_max=2.0 (PyG default):
    # scaled Laplacian L_hat = 2L/lambda_max - I = -D^{-1/2} A D^{-1/2} (diag 1 and -1 self-loops cancel).
    src, dst = edge_index[0], edge_index[1]
    w = jnp.where(src == dst, 0.0, edge_weight)  # remove_self_loops equivalent
    deg = jax.ops.segment_sum(w, src, num_segments=n)
    safe = jnp.where(deg > 0, deg, 1.0)
    dis = jnp.where(deg > 0, safe ** -0.5, 0.0)
    norm = -(dis[src] * w * dis[dst])
    def prop(x):
        return jax.ops.segment_sum(norm[:, None] * x[src], dst, num_segments=n)
    return prop

def _cheb(x, W, b, prop):
    # Chebyshev recurrence: T0 = x, T1 = L_hat x, T_k = 2 L_hat T_{k-1} - T_{k-2}
    Tx0 = x
    out = Tx0 @ W[0]
    Tx1 = prop(x)
    out = out + Tx1 @ W[1]
    for k in range(2, W.shape[0]):
        Tx2 = 2.0 * prop(Tx1) - Tx0
        out = out + Tx2 @ W[k]
        Tx0, Tx1 = Tx1, Tx2
    return out + b

def reference(input, edge_index, edge_weight, hx, W_xi, b_xi, W_hi, b_hi, W_xf, b_xf, W_hf, b_hf, W_xc, b_xc, W_hc, b_hc, W_xo, b_xo, W_ho, b_ho, w_c_i, w_c_f, w_c_o, b_i, b_f, b_c, b_o):
    n = input.shape[0]
    prop = _make_prop(edge_index, edge_weight, n)
    H, C = hx[0], hx[1]
    I = jax.nn.sigmoid(_cheb(input, W_xi, b_xi, prop) + _cheb(H, W_hi, b_hi, prop) + w_c_i * C + b_i)
    F = jax.nn.sigmoid(_cheb(input, W_xf, b_xf, prop) + _cheb(H, W_hf, b_hf, prop) + w_c_f * C + b_f)
    T = jnp.tanh(_cheb(input, W_xc, b_xc, prop) + _cheb(H, W_hc, b_hc, prop) + b_c)
    C_new = F * C + I * T
    O = jax.nn.sigmoid(_cheb(input, W_xo, b_xo, prop) + _cheb(H, W_ho, b_ho, prop) + w_c_o * C_new + b_o)
    H_new = O * jnp.tanh(C_new)
    return (H_new, C_new)

if __name__ == "__main__":
    import jax
    _d = setup_inputs()
    print(jax.jit(kernel)(*tuple(_d.values())))

</pallas_src>

<mosaic_0001>
#map = affine_map<(d0, d1) -> (0)>
#map1 = affine_map<(d0, d1) -> (0, 0, 0)>
#map2 = affine_map<(d0, d1) -> (0, 0)>
module attributes {stable_mosaic.version = 14 : i64} {
  func.func @_deg_body(%arg0: i32, %arg1: i32, %arg2: memref<320000xi32, #tpu.memory_space<hbm>>, %arg3: memref<320000xi32, #tpu.memory_space<hbm>>, %arg4: memref<320000xf32, #tpu.memory_space<hbm>>, %arg5: memref<32x125x80xi32, #tpu.memory_space<hbm>>, %arg6: memref<2x10240xf32, #tpu.memory_space<hbm>>, %arg7: memref<10000xi32, #tpu.memory_space<vmem>>, %arg8: memref<10000xi32, #tpu.memory_space<vmem>>, %arg9: memref<10000xf32, #tpu.memory_space<vmem>>, %arg10: memref<125x80xi32, #tpu.memory_space<vmem>>, %arg11: memref<80xf32, #tpu.memory_space<vmem>>, %arg12: memref<640xf32, #tpu.memory_space<vmem>>, %arg13: memref<!tpu.dma_semaphore, #tpu.memory_space<semaphore_mem>>, %arg14: memref<10240xf32, #tpu.memory_space<vmem_shared>>) attributes {dimension_semantics = [#tpu.dimension_semantics<core_parallel>, #tpu.dimension_semantics<subcore_parallel>], iteration_bounds = array<i64: 2, 16>, scalar_prefetch = 0 : i64, scratch_operands = 8 : i64, tpu.core_type = #tpu.core_type<sc_vector_subcore>, window_params = [{transform_indices = #map}, {transform_indices = #map}, {transform_indices = #map}, {transform_indices = #map1}, {transform_indices = #map2}]} {
    %mul3A = arith.constant 2 : i32
    %mul3A_0 = arith.muli %arg1, %mul3A : i32
    %add3A = arith.addi %mul3A_0, %arg0 : i32
    %scan3A = arith.constant 0 : i32
    %scan3A_1 = arith.constant 0 : i32
    %scan3A_2 = arith.constant 40 : i32
    %scan3A_3 = arith.addi %scan3A_1, %scan3A_2 : i32
    %scan3A_4 = arith.constant 1 : i32
    %scan3A_5 = scf.for %scan3A_60 = %scan3A_1 to %scan3A_3 step %scan3A_4 iter_args(%scan3A_61 = %scan3A) -> (i32)  : i32 {
      %broadcast_in_dim3A = arith.constant 0.000000e+00 : f32
      %broadcast_in_dim3A_62 = vector.broadcast %broadcast_in_dim3A : f32 to vector<16xf32>
      %mul3A_63 = arith.constant 16 : i32
      %mul3A_64 = arith.muli %scan3A_60, %mul3A_63 : i32
      %swap3A = arith.index_cast %mul3A_64 : i32 to index
      %swap3A_65 = tpu.vector_load %arg12[%swap3A] {strides = array<i32>} : memref<640xf32, #tpu.memory_space<vmem>>, vector<16xf32>,
      tpu.vector_store %arg12[%swap3A], %broadcast_in_dim3A_62 {strides = array<i32>} : memref<640xf32, #tpu.memory_space<vmem>>, vector<16xf32>,
      %scan3A_66 = arith.constant 0 : i32
      scf.yield %scan3A_66 : i32
    }
    %scan3A_6 = arith.constant 40 : i32
    %mul3A_7 = arith.constant 640 : i32
    %mul3A_8 = arith.muli %arg1, %mul3A_7 : i32
    "tpu.region"() ({
      %run_scoped3A = tpu.sem_alloc : memref<!tpu.dma_semaphore, #tpu.memory_space<semaphore_mem>>
      %dma_start3A_60 = tpu.memref_slice %arg14[%mul3A_8] : memref<10240xf32, #tpu.memory_space<vmem_shared>> -> memref<640xf32, #tpu.memory_space<vmem_shared>>
      %dma_start3A_61 = tpu.memref_slice %arg14[%mul3A_8] : memref<10240xf32, #tpu.memory_space<vmem_shared>> -> memref<640xf32, #tpu.memory_space<vmem_shared>>
      tpu.enqueue_dma source(%arg12 : memref<640xf32, #tpu.memory_space<vmem>>) target(%dma_start3A_61 : memref<640xf32, #tpu.memory_space<vmem_shared>>) target_semaphore(%run_scoped3A : memref<!tpu.dma_semaphore, #tpu.memory_space<semaphore_mem>>)
      %dma_wait3A_62 = tpu.memref_slice %arg14[%mul3A_8] : memref<10240xf32, #tpu.memory_space<vmem_shared>> -> memref<640xf32, #tpu.memory_space<vmem_shared>>
      %dma_wait3A_63 = tpu.memref_slice %arg14[%mul3A_8] : memref<10240xf32, #tpu.memory_space<vmem_shared>> -> memref<640xf32, #tpu.memory_space<vmem_shared>>
      tpu.wait_dma2 semaphore(%run_scoped3A : memref<!tpu.dma_semaphore, #tpu.memory_space<semaphore_mem>>) src(%arg12 : memref<640xf32, #tpu.memory_space<vmem>>) dst(%dma_wait3A_63 : memref<640xf32, #tpu.memory_space<vmem_shared>>)
      tpu.yield
    }) : () -> ()
    %barrier3A = arith.constant 0 : index
    tpu.barrier barrier_id(%barrier3A)
    %mul3A_9 = arith.constant 10000 : i32
    %mul3A_10 = arith.muli %add3A, %mul3A_9 : i32
    %dma_start3A = tpu.memref_slice %arg2[%mul3A_10] : memref<320000xi32, #tpu.memory_space<hbm>> -> memref<10000xi32, #tpu.memory_space<hbm>>
    %dma_start3A_11 = tpu.memref_slice %arg2[%mul3A_10] : memref<320000xi32, #tpu.memory_space<hbm>> -> memref<10000xi32, #tpu.memory_space<hbm>>
    tpu.enqueue_dma source(%dma_start3A_11 : memref<10000xi32, #tpu.memory_space<hbm>>) target(%arg7 : memref<10000xi32, #tpu.memory_space<vmem>>) target_semaphore(%arg13 : memref<!tpu.dma_semaphore, #tpu.memory_space<semaphore_mem>>)
    %mul3A_12 = arith.constant 10000 : i32
    %mul3A_13 = arith.muli %add3A, %mul3A_12 : i32
    %dma_start3A_14 = tpu.memref_slice %arg3[%mul3A_13] : memref<320000xi32, #tpu.memory_space<hbm>> -> memref<10000xi32, #tpu.memory_space<hbm>>
    %dma_start3A_15 = tpu.memref_slice %arg3[%mul3A_13] : memref<320000xi32, #tpu.memory_space<hbm>> -> memref<10000xi32, #tpu.memory_space<hbm>>
    tpu.enqueue_dma source(%dma_start3A_15 : memref<10000xi32, #tpu.memory_space<hbm>>) target(%arg8 : memref<10000xi32, #tpu.memory_space<vmem>>) target_semaphore(%arg13 : memref<!tpu.dma_semaphore, #tpu.memory_space<semaphore_mem>>)
    %mul3A_16 = arith.constant 10000 : i32
    %mul3A_17 = arith.muli %add3A, %mul3A_16 : i32
    %dma_start3A_18 = tpu.memref_slice %arg4[%mul3A_17] : memref<320000xf32, #tpu.memory_space<hbm>> -> memref<10000xf32, #tpu.memory_space<hbm>>
    %dma_start3A_19 = tpu.memref_slice %arg4[%mul3A_17] : memref<320000xf32, #tpu.memory_space<hbm>> -> memref<10000xf32, #tpu.memory_space<hbm>>
    tpu.enqueue_dma source(%dma_start3A_19 : memref<10000xf32, #tpu.memory_space<hbm>>) target(%arg9 : memref<10000xf32, #tpu.memory_space<vmem>>) target_semaphore(%arg13 : memref<!tpu.dma_semaphore, #tpu.memory_space<semaphore_mem>>)
    %dma_start3A_20 = arith.constant 0 : i32
    %dma_start3A_21 = arith.constant 0 : i32
    %dma_start3A_22 = tpu.memref_slice %arg5[%add3A, %dma_start3A_20, %dma_start3A_21] : memref<32x125x80xi32, #tpu.memory_space<hbm>> -> memref<1x125x80xi32, #tpu.memory_space<hbm>>
    %dma_start3A_23 = tpu.memref_squeeze %dma_start3A_22 : memref<1x125x80xi32, #tpu.memory_space<hbm>> -> memref<125x80xi32, #tpu.memory_space<hbm>>
    %dma_start3A_24 = arith.constant 0 : i32
    %dma_start3A_25 = arith.constant 0 : i32
    %dma_start3A_26 = tpu.memref_slice %arg5[%add3A, %dma_start3A_24, %dma_start3A_25] : memref<32x125x80xi32, #tpu.memory_space<hbm>> -> memref<1x125x80xi32, #tpu.memory_space<hbm>>
    %dma_start3A_27 = tpu.memref_squeeze %dma_start3A_26 : memref<1x125x80xi32, #tpu.memory_space<hbm>> -> memref<125x80xi32, #tpu.memory_space<hbm>>
    tpu.enqueue_dma source(%dma_start3A_27 : memref<125x80xi32, #tpu.memory_space<hbm>>) target(%arg10 : memref<125x80xi32, #tpu.memory_space<vmem>>) target_semaphore(%arg13 : memref<!tpu.dma_semaphore, #tpu.memory_space<semaphore_mem>>)
    %dma_wait3A = arith.constant 0 : i32
    %dma_wait3A_28 = tpu.memref_slice %arg2[%dma_wait3A] : memref<320000xi32, #tpu.memory_space<hbm>> -> memref<10000xi32, #tpu.memory_space<hbm>>
    %dma_wait3A_29 = arith.constant 0 : i32
    %dma_wait3A_30 = tpu.memref_slice %arg2[%dma_wait3A_29] : memref<320000xi32, #tpu.memory_space<hbm>> -> memref<10000xi32, #tpu.memory_space<hbm>>
    tpu.wait_dma2 semaphore(%arg13 : memref<!tpu.dma_semaphore, #tpu.memory_space<semaphore_mem>>) src(%dma_wait3A_30 : memref<10000xi32, #tpu.memory_space<hbm>>) dst(%arg7 : memref<10000xi32, #tpu.memory_space<vmem>>)
    %dma_wait3A_31 = arith.constant 0 : i32
    %dma_wait3A_32 = tpu.memref_slice %arg3[%dma_wait3A_31] : memref<320000xi32, #tpu.memory_space<hbm>> -> memref<10000xi32, #tpu.memory_space<hbm>>
    %dma_wait3A_33 = arith.constant 0 : i32
    %dma_wait3A_34 = tpu.memref_slice %arg3[%dma_wait3A_33] : memref<320000xi32, #tpu.memory_space<hbm>> -> memref<10000xi32, #tpu.memory_space<hbm>>
    tpu.wait_dma2 semaphore(%arg13 : memref<!tpu.dma_semaphore, #tpu.memory_space<semaphore_mem>>) src(%dma_wait3A_34 : memref<10000xi32, #tpu.memory_space<hbm>>) dst(%arg8 : memref<10000xi32, #tpu.memory_space<vmem>>)
    %dma_wait3A_35 = arith.constant 0 : i32
    %dma_wait3A_36 = tpu.memref_slice %arg4[%dma_wait3A_35] : memref<320000xf32, #tpu.memory_space<hbm>> -> memref<10000xf32, #tpu.memory_space<hbm>>
    %dma_wait3A_37 = arith.constant 0 : i32
    %dma_wait3A_38 = tpu.memref_slice %arg4[%dma_wait3A_37] : memref<320000xf32, #tpu.memory_space<hbm>> -> memref<10000xf32, #tpu.memory_space<hbm>>
    tpu.wait_dma2 semaphore(%arg13 : memref<!tpu.dma_semaphore, #tpu.memory_space<semaphore_mem>>) src(%dma_wait3A_38 : memref<10000xf32, #tpu.memory_space<hbm>>) dst(%arg9 : memref<10000xf32, #tpu.memory_space<vmem>>)
    %dma_wait3A_39 = arith.constant 0 : i32
    %dma_wait3A_40 = arith.constant 0 : i32
    %dma_wait3A_41 = arith.constant 0 : i32
    %dma_wait3A_42 = tpu.memref_slice %arg5[%dma_wait3A_39, %dma_wait3A_40, %dma_wait3A_41] : memref<32x125x80xi32, #tpu.memory_space<hbm>> -> memref<1x125x80xi32, #tpu.memory_space<hbm>>
    %dma_wait3A_43 = tpu.memref_squeeze %dma_wait3A_42 : memref<1x125x80xi32, #tpu.memory_space<hbm>> -> memref<125x80xi32, #tpu.memory_space<hbm>>
    %dma_wait3A_44 = arith.constant 0 : i32
    %dma_wait3A_45 = arith.constant 0 : i32
    %dma_wait3A_46 = tpu.memref_slice %arg5[%dma_wait3A_39, %dma_wait3A_44, %dma_wait3A_45] : memref<32x125x80xi32, #tpu.memory_space<hbm>> -> memref<1x125x80xi32, #tpu.memory_space<hbm>>
    %dma_wait3A_47 = tpu.memref_squeeze %dma_wait3A_46 : memref<1x125x80xi32, #tpu.memory_space<hbm>> -> memref<125x80xi32, #tpu.memory_space<hbm>>
    tpu.wait_dma2 semaphore(%arg13 : memref<!tpu.dma_semaphore, #tpu.memory_space<semaphore_mem>>) src(%dma_wait3A_47 : memref<125x80xi32, #tpu.memory_space<hbm>>) dst(%arg10 : memref<125x80xi32, #tpu.memory_space<vmem>>)
    %scan3A_48 = arith.constant 0 : i32
    %scan3A_49 = arith.constant 0 : i32
    %scan3A_50 = arith.constant 125 : i32
    %scan3A_51 = arith.addi %scan3A_49, %scan3A_50 : i32
    %scan3A_52 = arith.constant 1 : i32
    %scan3A_53 = scf.for %scan3A_60 = %scan3A_49 to %scan3A_51 step %scan3A_52 iter_args(%scan3A_61 = %scan3A_48) -> (i32)  : i32 {
      %mul3A_62 = arith.constant 80 : i32
      %mul3A_63 = arith.muli %scan3A_60, %mul3A_62 : i32
      %add3A_64 = arith.constant 0 : i32
      %add3A_65 = arith.addi %mul3A_63, %add3A_64 : i32
      %get3A = arith.index_cast %add3A_65 : i32 to index
      %get3A_66 = tpu.vector_load %arg7[%get3A] {strides = array<i32>} : memref<10000xi32, #tpu.memory_space<vmem>>, vector<16xi32>,
      %mul3A_67 = arith.constant 80 : i32
      %mul3A_68 = arith.muli %scan3A_60, %mul3A_67 : i32
      %add3A_69 = arith.constant 0 : i32
      %add3A_70 = arith.addi %mul3A_68, %add3A_69 : i32
      %get3A_71 = arith.index_cast %add3A_70 : i32 to index
      %get3A_72 = tpu.vector_load %arg8[%get3A_71] {strides = array<i32>} : memref<10000xi32, #tpu.memory_space<vmem>>, vector<16xi32>,
      %mul3A_73 = arith.constant 80 : i32
      %mul3A_74 = arith.muli %scan3A_60, %mul3A_73 : i32
      %add3A_75 = arith.constant 0 : i32
      %add3A_76 = arith.addi %mul3A_74, %add3A_75 : i32
      %get3A_77 = arith.index_cast %add3A_76 : i32 to index
      %get3A_78 = tpu.vector_load %arg9[%get3A_77] {strides = array<i32>} : memref<10000xf32, #tpu.memory_space<vmem>>, vector<16xf32>,
      %ne3A = arith.cmpi ne, %get3A_66, %get3A_72 : vector<16xi32>
      %jit3A = arith.constant 0.000000e+00 : f32
      %broadcast_in_dim3A = vector.broadcast %jit3A : f32 to vector<16xf32>
      %select_n3A = arith.select %ne3A, %get3A_78, %broadcast_in_dim3A : vector<16xi1>, vector<16xf32>
      %swap3A = arith.constant 0 : index
      %swap3A_79 = tpu.vector_load %arg11[%swap3A] {strides = array<i32>} : memref<80xf32, #tpu.memory_space<vmem>>, vector<16xf32>,
      tpu.vector_store %arg11[%swap3A], %select_n3A {strides = array<i32>} : memref<80xf32, #tpu.memory_space<vmem>>, vector<16xf32>,
      %mul3A_80 = arith.constant 80 : i32
      %mul3A_81 = arith.muli %scan3A_60, %mul3A_80 : i32
      %add3A_82 = arith.constant 16 : i32
      %add3A_83 = arith.addi %mul3A_81, %add3A_82 : i32
      %get3A_84 = arith.index_cast %add3A_83 : i32 to index
      %get3A_85 = tpu.vector_load %arg7[%get3A_84] {strides = array<i32>} : memref<10000xi32, #tpu.memory_space<vmem>>, vector<16xi32>,
      %mul3A_86 = arith.constant 80 : i32
      %mul3A_87 = arith.muli %scan3A_60, %mul3A_86 : i32
      %add3A_88 = arith.constant 16 : i32
      %add3A_89 = arith.addi %mul3A_87, %add3A_88 : i32
      %get3A_90 = arith.index_cast %add3A_89 : i32 to index
      %get3A_91 = tpu.vector_load %arg8[%get3A_90] {strides = array<i32>} : memref<10000xi32, #tpu.memory_space<vmem>>, vector<16xi32>,
      %mul3A_92 = arith.constant 80 : i32
      %mul3A_93 = arith.muli %scan3A_60, %mul3A_92 : i32
      %add3A_94 = arith.constant 16 : i32
      %add3A_95 = arith.addi %mul3A_93, %add3A_94 : i32
      %get3A_96 = arith.index_cast %add3A_95 : i32 to index
      %get3A_97 = tpu.vector_load %arg9[%get3A_96] {strides = array<i32>} : memref<10000xf32, #tpu.memory_space<vmem>>, vector<16xf32>,
      %ne3A_98 = arith.cmpi ne, %get3A_85, %get3A_91 : vector<16xi32>
      %jit3A_99 = arith.constant 0.000000e+00 : f32
      %broadcast_in_dim3A_100 = vector.broadcast %jit3A_99 : f32 to vector<16xf32>
      %select_n3A_101 = arith.select %ne3A_98, %get3A_97, %broadcast_in_dim3A_100 : vector<16xi1>, vector<16xf32>
      %swap3A_102 = arith.constant 16 : index
      %swap3A_103 = tpu.vector_load %arg11[%swap3A_102] {strides = array<i32>} : memref<80xf32, #tpu.memory_space<vmem>>, vector<16xf32>,
      tpu.vector_store %arg11[%swap3A_102], %select_n3A_101 {strides = array<i32>} : memref<80xf32, #tpu.memory_space<vmem>>, vector<16xf32>,
      %mul3A_104 = arith.constant 80 : i32
      %mul3A_105 = arith.muli %scan3A_60, %mul3A_104 : i32
      %add3A_106 = arith.constant 32 : i32
      %add3A_107 = arith.addi %mul3A_105, %add3A_106 : i32
      %get3A_108 = arith.index_cast %add3A_107 : i32 to index
      %get3A_109 = tpu.vector_load %arg7[%get3A_108] {strides = array<i32>} : memref<10000xi32, #tpu.memory_space<vmem>>, vector<16xi32>,
      %mul3A_110 = arith.constant 80 : i32
      %mul3A_111 = arith.muli %scan3A_60, %mul3A_110 : i32
      %add3A_112 = arith.constant 32 : i32
      %add3A_113 = arith.addi %mul3A_111, %add3A_112 : i32
      %get3A_114 = arith.index_cast %add3A_113 : i32 to index
      %get3A_115 = tpu.vector_load %arg8[%get3A_114] {strides = array<i32>} : memref<10000xi32, #tpu.memory_space<vmem>>, vector<16xi32>,
      %mul3A_116 = arith.constant 80 : i32
      %mul3A_117 = arith.muli %scan3A_60, %mul3A_116 : i32
      %add3A_118 = arith.constant 32 : i32
      %add3A_119 = arith.addi %mul3A_117, %add3A_118 : i32
      %get3A_120 = arith.index_cast %add3A_119 : i32 to index
      %get3A_121 = tpu.vector_load %arg9[%get3A_120] {strides = array<i32>} : memref<10000xf32, #tpu.memory_space<vmem>>, vector<16xf32>,
      %ne3A_122 = arith.cmpi ne, %get3A_109, %get3A_115 : vector<16xi32>
      %jit3A_123 = arith.constant 0.000000e+00 : f32
      %broadcast_in_dim3A_124 = vector.broadcast %jit3A_123 : f32 to vector<16xf32>
      %select_n3A_125 = arith.select %ne3A_122, %get3A_121, %broadcast_in_dim3A_124 : vector<16xi1>, vector<16xf32>
      %swap3A_126 = arith.constant 32 : index
      %swap3A_127 = tpu.vector_load %arg11[%swap3A_126] {strides = array<i32>} : memref<80xf32, #tpu.memory_space<vmem>>, vector<16xf32>,
      tpu.vector_store %arg11[%swap3A_126], %select_n3A_125 {strides = array<i32>} : memref<80xf32, #tpu.memory_space<vmem>>, vector<16xf32>,
      %mul3A_128 = arith.constant 80 : i32
      %mul3A_129 = arith.muli %scan3A_60, %mul3A_128 : i32
      %add3A_130 = arith.constant 48 : i32
      %add3A_131 = arith.addi %mul3A_129, %add3A_130 : i32
      %get3A_132 = arith.index_cast %add3A_131 : i32 to index
      %get3A_133 = tpu.vector_load %arg7[%get3A_132] {strides = array<i32>} : memref<10000xi32, #tpu.memory_space<vmem>>, vector<16xi32>,
      %mul3A_134 = arith.constant 80 : i32
      %mul3A_135 = arith.muli %scan3A_60, %mul3A_134 : i32
      %add3A_136 = arith.constant 48 : i32
      %add3A_137 = arith.addi %mul3A_135, %add3A_136 : i32
      %get3A_138 = arith.index_cast %add3A_137 : i32 to index
      %get3A_139 = tpu.vector_load %arg8[%get3A_138] {strides = array<i32>} : memref<10000xi32, #tpu.memory_space<vmem>>, vector<16xi32>,
      %mul3A_140 = arith.constant 80 : i32
      %mul3A_141 = arith.muli %scan3A_60, %mul3A_140 : i32
      %add3A_142 = arith.constant 48 : i32
      %add3A_143 = arith.addi %mul3A_141, %add3A_142 : i32
      %get3A_144 = arith.index_cast %add3A_143 : i32 to index
      %get3A_145 = tpu.vector_load %arg9[%get3A_144] {strides = array<i32>} : memref<10000xf32, #tpu.memory_space<vmem>>, vector<16xf32>,
      %ne3A_146 = arith.cmpi ne, %get3A_133, %get3A_139 : vector<16xi32>
      %jit3A_147 = arith.constant 0.000000e+00 : f32
      %broadcast_in_dim3A_148 = vector.broadcast %jit3A_147 : f32 to vector<16xf32>
      %select_n3A_149 = arith.select %ne3A_146, %get3A_145, %broadcast_in_dim3A_148 : vector<16xi1>, vector<16xf32>
      %swap3A_150 = arith.constant 48 : index
      %swap3A_151 = tpu.vector_load %arg11[%swap3A_150] {strides = array<i32>} : memref<80xf32, #tpu.memory_space<vmem>>, vector<16xf32>,
      tpu.vector_store %arg11[%swap3A_150], %select_n3A_149 {strides = array<i32>} : memref<80xf32, #tpu.memory_space<vmem>>, vector<16xf32>,
      %mul3A_152 = arith.constant 80 : i32
      %mul3A_153 = arith.muli %scan3A_60, %mul3A_152 : i32
      %add3A_154 = arith.constant 64 : i32
      %add3A_155 = arith.addi %mul3A_153, %add3A_154 : i32
      %get3A_156 = arith.index_cast %add3A_155 : i32 to index
      %get3A_157 = tpu.vector_load %arg7[%get3A_156] {strides = array<i32>} : memref<10000xi32, #tpu.memory_space<vmem>>, vector<16xi32>,
      %mul3A_158 = arith.constant 80 : i32
      %mul3A_159 = arith.muli %scan3A_60, %mul3A_158 : i32
      %add3A_160 = arith.constant 64 : i32
      %add3A_161 = arith.addi %mul3A_159, %add3A_160 : i32
      %get3A_162 = arith.index_cast %add3A_161 : i32 to index
      %get3A_163 = tpu.vector_load %arg8[%get3A_162] {strides = array<i32>} : memref<10000xi32, #tpu.memory_space<vmem>>, vector<16xi32>,
      %mul3A_164 = arith.constant 80 : i32
      %mul3A_165 = arith.muli %scan3A_60, %mul3A_164 : i32
      %add3A_166 = arith.constant 64 : i32
      %add3A_167 = arith.addi %mul3A_165, %add3A_166 : i32
      %get3A_168 = arith.index_cast %add3A_167 : i32 to index
      %get3A_169 = tpu.vector_load %arg9[%get3A_168] {strides = array<i32>} : memref<10000xf32, #tpu.memory_space<vmem>>, vector<16xf32>,
      %ne3A_170 = arith.cmpi ne, %get3A_157, %get3A_163 : vector<16xi32>
      %jit3A_171 = arith.constant 0.000000e+00 : f32
      %broadcast_in_dim3A_172 = vector.broadcast %jit3A_171 : f32 to vector<16xf32>
      %select_n3A_173 = arith.select %ne3A_170, %get3A_169, %broadcast_in_dim3A_172 : vector<16xi1>, vector<16xf32>
      %swap3A_174 = arith.constant 64 : index
      %swap3A_175 = tpu.vector_load %arg11[%swap3A_174] {strides = array<i32>} : memref<80xf32, #tpu.memory_space<vmem>>, vector<16xf32>,
      tpu.vector_store %arg11[%swap3A_174], %select_n3A_173 {strides = array<i32>} : memref<80xf32, #tpu.memory_space<vmem>>, vector<16xf32>,
      "tpu.region"() ({
        %run_scoped3A = tpu.sem_alloc : memref<!tpu.dma_semaphore, #tpu.memory_space<semaphore_mem>>
        %dma_start3A_177 = arith.constant 0 : i32
        %dma_start3A_178 = tpu.memref_slice %arg10[%scan3A_60, %dma_start3A_177] : memref<125x80xi32, #tpu.memory_space<vmem>> -> memref<1x80xi32, #tpu.memory_space<vmem>>
        %dma_start3A_179 = tpu.memref_squeeze %dma_start3A_178 : memref<1x80xi32, #tpu.memory_space<vmem>> -> memref<80xi32, #tpu.memory_space<vmem>>
        %dma_start3A_180 = arith.constant 0 : i32
        %dma_start3A_181 = tpu.memref_slice %arg14[%dma_start3A_180] : memref<10240xf32, #tpu.memory_space<vmem_shared>> -> memref<10240xf32, #tpu.memory_space<vmem_shared>>
        tpu.enqueue_indirect_dma source(%arg11 : memref<80xf32, #tpu.memory_space<vmem>>) target(%dma_start3A_181 : memref<10240xf32, #tpu.memory_space<vmem_shared>>) offsets(%dma_start3A_179 : memref<80xi32, #tpu.memory_space<vmem>>) semaphore(%run_scoped3A : memref<!tpu.dma_semaphore, #tpu.memory_space<semaphore_mem>>) {add = true}
        %dma_wait3A_182 = arith.constant 0 : i32
        %dma_wait3A_183 = tpu.memref_slice %arg10[%scan3A_60, %dma_wait3A_182] : memref<125x80xi32, #tpu.memory_space<vmem>> -> memref<1x80xi32, #tpu.memory_space<vmem>>
        %dma_wait3A_184 = tpu.memref_squeeze %dma_wait3A_183 : memref<1x80xi32, #tpu.memory_space<vmem>> -> memref<80xi32, #tpu.memory_space<vmem>>
        %dma_wait3A_185 = arith.constant 0 : i32
        %dma_wait3A_186 = tpu.memref_slice %arg14[%dma_wait3A_185] : memref<10240xf32, #tpu.memory_space<vmem_shared>> -> memref<10240xf32, #tpu.memory_space<vmem_shared>>
        tpu.wait_indirect_dma semaphore(%run_scoped3A : memref<!tpu.dma_semaphore, #tpu.memory_space<semaphore_mem>>) src(%arg11 : memref<80xf32, #tpu.memory_space<vmem>>) dst(%dma_wait3A_186 : memref<10240xf32, #tpu.memory_space<vmem_shared>>)
        tpu.yield
      }) : () -> ()
      %scan3A_176 = arith.constant 0 : i32
      scf.yield %scan3A_176 : i32
    }
    %scan3A_54 = arith.constant 125 : i32
    %barrier3A_55 = arith.constant 0 : index
    tpu.barrier barrier_id(%barrier3A_55)
    %mul3A_56 = arith.constant 640 : i32
    %mul3A_57 = arith.muli %arg1, %mul3A_56 : i32
    %mul3A_58 = arith.constant 640 : i32
    %mul3A_59 = arith.muli %arg1, %mul3A_58 : i32
    "tpu.region"() ({
      %run_scoped3A = tpu.sem_alloc : memref<!tpu.dma_semaphore, #tpu.memory_space<semaphore_mem>>
      %dma_start3A_60 = tpu.memref_slice %arg6[%arg0, %mul3A_59] : memref<2x10240xf32, #tpu.memory_space<hbm>> -> memref<1x640xf32, #tpu.memory_space<hbm>>
      %dma_start3A_61 = tpu.memref_squeeze %dma_start3A_60 : memref<1x640xf32, #tpu.memory_space<hbm>> -> memref<640xf32, #tpu.memory_space<hbm>>
      %dma_start3A_62 = tpu.memref_slice %arg14[%mul3A_57] : memref<10240xf32, #tpu.memory_space<vmem_shared>> -> memref<640xf32, #tpu.memory_space<vmem_shared>>
      tpu.enqueue_dma source(%dma_start3A_62 : memref<640xf32, #tpu.memory_space<vmem_shared>>) target(%dma_start3A_61 : memref<640xf32, #tpu.memory_space<hbm>>) target_semaphore(%run_scoped3A : memref<!tpu.dma_semaphore, #tpu.memory_space<semaphore_mem>>)
      %dma_wait3A_63 = tpu.memref_slice %arg6[%arg0, %mul3A_59] : memref<2x10240xf32, #tpu.memory_space<hbm>> -> memref<1x640xf32, #tpu.memory_space<hbm>>
      %dma_wait3A_64 = tpu.memref_squeeze %dma_wait3A_63 : memref<1x640xf32, #tpu.memory_space<hbm>> -> memref<640xf32, #tpu.memory_space<hbm>>
      %dma_wait3A_65 = tpu.memref_slice %arg14[%mul3A_57] : memref<10240xf32, #tpu.memory_space<vmem_shared>> -> memref<640xf32, #tpu.memory_space<vmem_shared>>
      tpu.wait_dma2 semaphore(%run_scoped3A : memref<!tpu.dma_semaphore, #tpu.memory_space<semaphore_mem>>) src(%dma_wait3A_65 : memref<640xf32, #tpu.memory_space<vmem_shared>>) dst(%dma_wait3A_64 : memref<640xf32, #tpu.memory_space<hbm>>)
      tpu.yield
    }) : () -> ()
    return
  }
}

</mosaic_0001>

<sc_bundles>
// kernel: _deg_call.3.cloned.1.call-start
scs
__scs_entry_jumppad:
0x0: {  	(pc) =	sbr.rel $0x88, $3  }
0x1: {  	(tag) =	ssettag $0x0;
	lr =	simm.s32 $0x1  }
0x2: {  	[smem:$0x3F9D] =	sst lr;
	_ =	strace $0xD0000000  }
0x3: {  	_ = 	snop  }
0x4: {  	_ = 	snop  }
0x5: {  	_ = 	snop  }
0x6: {  	_ = 	snop  }
0x7: {  	_ = 	snop  }
__scs_overlays_trampoline_lowered:
0x8: {  	[smem:$0x3FAC] =	sst s0  }
0x9: {  	[smem:$0x3FAD] =	sst s1  }
0xa: {  	[smem:$0x3FAE] =	sst s2  }
0xb: {  	[smem:$0x3FAF] =	sst s3  }
0xc: {  	[smem:$0x3FB0] =	sst s4  }
0xd: {  	[smem:$0x3FB1] =	sst s5  }
0xe: {  	[smem:$0x3FB2] =	sst s6  }
0xf: {  	[smem:$0x3FB3] =	sst s7  }
0x10: {  	[smem:$0x3FB4] =	sst s8  }
0x11: {  	[smem:$0x3FB5] =	sst s9;
	s0 =	simm.s32 @!p0 $0x0  }
0x12: {  	s1 =	sld [smem:$0x3F9B];
	s0 =	simm.s32 @p0 $0x1  }
0x13: {  	[smem:$0x3FB6] =	sst s0;
	s0 =	simm.s32 @!p1 $0x0  }
0x14: {  	s2 =	sld [smem:$0x3F9A];
	s0 =	simm.s32 @p1 $0x1  }
0x15: {  	[smem:$0x3FB7] =	sst s0;
	s0 =	simm.s32 @!p2 $0x0  }
0x16: {  	s3 =	sld [smem:$0x3FDB];
	s0 =	simm.s32 @p2 $0x1  }
0x17: {  	s4 =	simm.s32 $0x1BF5;
	[smem:$0x3FB9] =	sst s0  }
0x18: {  	s0 =	sld [smem:$0x3F9C];
	_ =	swait.ge [sflag:s4], $0x0  }
0x19: {  	s7 =	sld [smem:$0x3F9D]  }
0x1a: {  	s8 =	sadd.s32 $0xFFFFE003, lr  }
0x1b: {  	s9 =	sadd.s32 $0xFFFFFEF7, lr;
	s5 =	simm.s32 $0xFFFFFFFF;
	p2 =	slt.u32 s8, $0xFFFFF086  }
0x1c: {  	p1 =	slt.u32 s9, $0xF7A;
	s5 =	simm.s32 @!p2 $0x0  }
0x1d: {  	s5 =	simm.s32 @p1 $0x1;
	p0 =	seq.s32 s7, s2  }
0x1e: {  	s7 =	smul.u32 @!p0 $0xF7A, s2;
	p2 =	seq.s32 @!p0 s5, $0x0  }
0x1f: {  	s9 =	smul.u32 $0xF7A, s1;
	s8 =	simm.s32 @!p0 $0x1BF5;
	p2 =	por !p2, p0  }
0x20: {  	[sflag:s8] =	ssyncset.s32 @!p0 $0xFFFFF086;
	s6 =	sadd.s32 @!p0 s3, s7;
	s7 =	simm.s32 @!p0 $0x108  }
0x21: {  	s3 =	sadd.s32 s3, s9;
	s6 =	sadd.s32 @!p0 $0x88, s6;
	s7 =	simm.s32 @p2 $0x1082  }
0x22: {  	[simem:s7], [sflag:s8] =	dma.local @!p0 [hbm:s6], $0xF7A  }
0x23: {  	s9 =	sor.u32 $0xD0000000, s2;
	s6 =	simm.s32 $0x108;
	_ =	swait.ge @!p0 [sflag:s8], $0x0  }
0x24: {  	s3 =	sadd.s32 $0x88, s3;
	s6 =	simm.s32 @!p1 $0x1082;
	[sflag:s4] =	ssyncset.s32 $0xFFFFF086  }
0x25: {  	[simem:s6], [sflag:s4] =	dma.local [hbm:s3], $0xF7A  }
0x26: {  	[smem:$0x3F9D] =	sst s1;
	(tag) =	ssettag s2;
	_ =	strace s9  }
0x27: {  	s1 =	sld [smem:$0x3FAD]  }
0x28: {  	s2 =	sld [smem:$0x3FAE]  }
0x29: {  	s4 =	sld [smem:$0x3FB0]  }
0x2a: {  	p0 =	seq.s32 s5, $0x0;
	s5 =	sld [smem:$0x3FB1]  }
0x2b: {  	s6 =	sld [smem:$0x3FB2]  }
0x2c: {  	s7 =	sld [smem:$0x3FB3]  }
0x2d: {  	s3 =	simm.s32 $0x108;
	s8 =	sld [smem:$0x3FB4]  }
0x2e: {  	s3 =	simm.s32 @!p0 $0x1082;
	s9 =	sld [smem:$0x3FB5]  }
0x2f: {  	lr =	sadd.s32 s0, s3;
	s0 =	sld [smem:$0x3FAC]  }
0x30: {  	s3 =	sld [smem:$0x3FAF]  }
0x31: {  	[smem:$0x3FB8] =	sst s10  }
0x32: {  	s10 =	sld [smem:$0x3FB6];
	_ =	sdelay $0x3  }
0x33: {  	p0 =	seq.s32 s10, $0x1;
	s10 =	sld [smem:$0x3FB8];
	_ =	sdelay $0x3  }
0x34: {  	[smem:$0x3FB8] =	sst s10  }
0x35: {  	s10 =	sld [smem:$0x3FB7];
	_ =	sdelay $0x3  }
0x36: {  	p1 =	seq.s32 s10, $0x1;
	s10 =	sld [smem:$0x3FB8];
	_ =	sdelay $0x3  }
0x37: {  	[smem:$0x3FB8] =	sst s10  }
0x38: {  	s10 =	sld [smem:$0x3FB9]  }
0x39: {  	_ = 	snop;
	(pc) =	sbr.ind lr, $3  }
0x3a: {  	_ = 	snop  }
0x3b: {  	_ = 	snop  }
0x3c: {  	p2 =	seq.s32 s10, $0x1;
	s10 =	sld [smem:$0x3FB8]  }
0x3d: {  	_ =	shalt  }
0x3e: {  	_ =	shalt  }
0x3f: {  	_ =	shalt  }
0x40: {  	_ =	shalt  }
0x41: {  	_ =	shalt  }
0x42: {  	_ =	shalt  }
0x43: {  	_ =	shalt  }
0x44: {  	_ =	shalt  }
0x45: {  	_ =	shalt  }
0x46: {  	_ =	shalt  }
0x47: {  	_ =	shalt  }
0x48: {  	_ =	shalt  }
0x49: {  	_ =	shalt  }
0x4a: {  	_ =	shalt  }
0x4b: {  	_ =	shalt  }
0x4c: {  	_ =	shalt  }
0x4d: {  	_ =	shalt  }
0x4e: {  	_ =	shalt  }
0x4f: {  	_ =	shalt  }
0x50: {  	_ =	shalt  }
0x51: {  	_ =	shalt  }
0x52: {  	_ =	shalt  }
0x53: {  	_ =	shalt  }
0x54: {  	_ =	shalt  }
0x55: {  	_ =	shalt  }
0x56: {  	_ =	shalt  }
0x57: {  	_ =	shalt  }
0x58: {  	_ =	shalt  }
0x59: {  	_ =	shalt  }
0x5a: {  	_ =	shalt  }
0x5b: {  	_ =	shalt  }
0x5c: {  	_ =	shalt  }
0x5d: {  	_ =	shalt  }
0x5e: {  	_ =	shalt  }
0x5f: {  	_ =	shalt  }
0x60: {  	_ =	shalt  }
0x61: {  	_ =	shalt  }
0x62: {  	_ =	shalt  }
0x63: {  	_ =	shalt  }
0x64: {  	_ =	shalt  }
0x65: {  	_ =	shalt  }
0x66: {  	_ =	shalt  }
0x67: {  	_ =	shalt  }
0x68: {  	_ =	shalt  }
0x69: {  	_ =	shalt  }
0x6a: {  	_ =	shalt  }
0x6b: {  	_ =	shalt  }
0x6c: {  	_ =	shalt  }
0x6d: {  	_ =	shalt  }
0x6e: {  	_ =	shalt  }
0x6f: {  	_ =	shalt  }
0x70: {  	_ =	shalt  }
0x71: {  	_ =	shalt  }
0x72: {  	_ =	shalt  }
0x73: {  	_ =	shalt  }
0x74: {  	_ =	shalt  }
0x75: {  	_ =	shalt  }
0x76: {  	_ =	shalt  }
0x77: {  	_ =	shalt  }
0x78: {  	_ =	shalt  }
0x79: {  	_ =	shalt  }
0x7a: {  	_ =	shalt  }
0x7b: {  	_ =	shalt  }
0x7c: {  	_ =	shalt  }
0x7d: {  	_ =	shalt  }
0x7e: {  	_ =	shalt  }
0x7f: {  	_ =	shalt  }
0x80: {  	_ =	shalt  }
0x81: {  	_ =	shalt  }
0x82: {  	_ =	shalt  }
0x83: {  	_ =	shalt  }
0x84: {  	_ =	shalt  }
0x85: {  	_ =	shalt  }
0x86: {  	_ =	shalt  }
0x87: {  	_ =	shalt  }
.Lfunc_end0:
.L_simem_size_0:
called_computation_lowered:
.L_overlay_start_0:
0x88: {  	s2 =	sld [smem:$0x3FD9]  }
0x89: {  	s3 =	sld [smem:$0x3FFE];
	_ =	sdelay $0x1  }
0x8a: {  	s1 =	srdreg.scid  }
0x8b: {  	s0 =	sand.u32 $0x1, s1  }
0x8c: {  	s17 =	sshll.u32 s0, $0xA;
	s2 =	sadd.s32 s3, s2  }
0x8d: {  	s2 =	sadd.s32 s2, s17  }
0x8e: {  	[smem:$0x3FC4] =	sst s2  }
0x8f: {  	_ = 	snop  }
0x90: {  	s2 =	sld [smem:$0x3FC9]  }
0x91: {  	s18 =	sld [smem:$0x3FC8]  }
0x92: {  	s4 =	sld [smem:$0x3FC7]  }
0x93: {  	s5 =	sld [smem:$0x3FD0];
	(tm) =	ssettm $0x1  }
0x94: {  	s6 =	sld [smem:$0x3FFB];
	_ =	sdelay $0x3  }
0x95: {  	_ =	strace s6  }
0x96: {  	s6 =	sld [smem:$0x3FFC];
	_ =	sdelay $0x3  }
0x97: {  	_ =	strace s6  }
0x98: {  	s6 =	sld [smem:$0x3FFD];
	_ =	sdelay $0x3  }
0x99: {  	_ =	strace s6  }
0x9a: {  	_ =	strace $0x8FFFFFFF  }
0x9b: {  	s19 =	sld [smem:$0x3FDB];
	_ =	sdelay $0x1  }
0x9c: {  	s7 =	simm.s32 $_scs_section_size  }
0x9d: {  	s8 =	simm.s32 $_size__tile_overlayer_lowered;
	s9 =	simm.s32 $_tile_overlayer_lowered  }
0x9e: {  	s22 =	simm.s32 $0x1BFF;
	s21 =	sshll.u32 s9, $0x1;
	s6 =	sadd.s32 s7, s19  }
0x9f: {  	s10 =	simm.s32 $0x0;
	s20 =	sshll.u32 s8, $0x1;
	s8 =	sadd.s32 s21, s6  }
0xa0: {  	[timem:s10], [sflag:s22] =	dma.local [hbm:s8], s20  }
0xa1: {  	_ =	swait.ge [sflag:s22], s20  }
0xa2: {  	s7 =	ssub.s32 $0x0, s20;
	[sflag:s22] =	ssyncset.done $0x0  }
0xa3: {  	[sflag:s22] =	ssyncadd.s32 s7;
	_ =	sdelay $0x1  }
0xa4: {  	s23 =	simm.s32 $0x1B8B  }
0xa5: {  	_ =	swait.ge [sflag:s23], $0x1  }
0xa6: {  	[sflag:s23] =	ssyncset.done $0x0  }
0xa7: {  	s25 =	simm.s32 $0x1B8E;
	s24 =	sld [smem:$0x3FFE];
	[sflag:s23] =	ssyncadd.s32 $0xFFFFFFFF  }
0xa8: {  	s26 =	simm.s32 $execute0_lowered;
	[smem:$0x3FD2] =	sst s25  }
0xa9: {  	s8 =	sshll.u32 s26, $0x1;
	_ =	strace $0x80000046;
	[dreg:$0x1] =	wrdreg $0xFFFFFFFF  }
0xaa: {  	s28 =	simm.s32 $_size_execute0_lowered;
	s6 =	sadd.s32 s6, s8;
	[dreg:$0x0] =	wrdreg $0x0  }
0xab: {  	s8 =	sshll.u32 s28, $0x1;
	[dreg:$0x2] =	wrdreg s6  }
0xac: {  	[dreg:$0x3] =	wrdreg s8  }
0xad: {  	[dreg:$0x4] =	wrdreg $0xC0  }
0xae: {  	_ =	task [dreg:s10], $0x5FFFF  }
0xaf: {  	[dreg:$0x1] =	wrdreg $0xFFFFFFFF  }
0xb0: {  	[dreg:$0x0] =	wrdreg $0x60  }
0xb1: {  	[dreg:$0x2] =	wrdreg s2  }
0xb2: {  	[dreg:$0x3] =	wrdreg s18  }
0xb3: {  	[dreg:$0x4] =	wrdreg s4  }
0xb4: {  	[dreg:$0x5] =	wrdreg s24  }
0xb5: {  	[dreg:$0x6] =	wrdreg s5  }
0xb6: {  	[dreg:$0x7] =	wrdreg $0xB9800  }
0xb7: {  	[dreg:$0x8] =	wrdreg $0x9  }
0xb8: {  	_ =	task.clear_ibuf [dreg:s10], $0x9FFFF;
	_ =	strace $0x90000046  }
0xb9: {  	s29 =	simm.s32 $0x9;
	_ =	strace $0x80000048  }
0xba: {  	_ =	swait.ge [sflag:s29], $0x1  }
0xbb: {  	[sflag:s29] =	ssyncadd.s32 $0xFFFFFFFF  }
0xbc: {  	_ =	strace $0x90000048  }
0xbd: {  	_ =	sfence  }
0xbe: {  	s30 =	sld [smem:$0x0];
	_ =	sdelay $0x2  }
0xbf: {  	s31 =	sshll.u32 s1, $0xD;
	s1 =	sshrl.u32 s1, $0x2  }
0xc0: {  	s3 =	sand.u32 $0x4000, s31;
	s1 =	sadd.s32 s1, s30  }
0xc1: {  	s0 =	sor.u32 s3, s0;
	s1 =	sshll.u32 s1, $0x11  }
0xc2: {  	s0 =	sor.u32 s1, s0  }
0xc3: {  	s0 =	sadd.s32 $0x8F2B, s0  }
0xc4: {  	[sflag:s0] =	ssyncadd.remote.s32 $0x1  }
0xc5: {  	_ =	sfence.sel $0xFFFF  }
0xc6: {  	[dreg:$0x0] =	wrdreg $0xFFFFFFFF;
	(pc) =	sbr.abs _section_cstart, $3  }
0xc7: {  	[dreg:$0x1] =	wrdreg $0xFFFFFFFF  }
0xc8: {  	_ =	task.clear_ibuf [dreg:s10], $0x2FFFF;
	_ =	strace $0x9FFFFFFF  }
0xc9: {  	(tm) =	ssettm $0x7FFFFFFF  }
tec
execute0_lowered:
.L_overlay_start_1:
0x0: {  	(tag) =	ssettag $0x1  }
0x1: {  	s5 =	rddreg [dreg:$0x0]  }
0x2: {  	s6 =	rddreg [dreg:$0x1]  }
0x3: {  	s7 =	rddreg [dreg:$0x2]  }
0x4: {  	s4 =	rddreg [dreg:$0x3]  }
0x5: {  	s9 =	rddreg [dreg:$0x4]  }
0x6: {  	s2 =	rddreg [dreg:$0x5]  }
0x7: {  	s0 =	rddreg [dreg:$0x6];
	s8 =	srdreg.scid  }
0x8: {  	s1 =	stileid.u32;
	s3 =	simm.s32 $0x0;
	s15 =	simm.s32 $0x1  }
0x9: {  	s16 =	simm.s32 $0x50;
	s17 =	simm.s32 $0xB680;
	s20 =	simm.s32 $0x20  }
0xa: {  	s21 =	simm.s32 $0x10;
	s22 =	simm.s32 $0x0;
	s8 =	sand.u32 $0x1, s8  }
0xb: {  	s10 =	sshll.u32 s1, $0x1;
	[smem:$0x7FF] =	sst s3;
	s12 =	smul.u32 $0xA00, s1  }
0xc: {  	s14 =	smul.u32 $0x500, s1;
	s18 =	sshll.u32 s1, $0x6;
	s10 =	sor.u32 s8, s10  }
0xd: {  	_ =	strace $0x80000047;
	s29 =	ssub.s32 $0x2, s8;
	s8 =	sshll.u32 s8, $0x7  }
0xe: {  	s18 =	sor.u32 $0x1C02, s18;
	s11 =	sshll.u32 s10, $0xB;
	s10 =	smul.u32 $0x4E2, s10  }
0xf: {  	s13 =	sshrl.u32 s29, $0x1;
	s12 =	sshrl.u32 s12, $0x2;
	s30 =	sor.u32 s8, s14  }
0x10: {  	s14 =	simm.s32 $0x4F00;
	s11 =	sadd.s32 s11, s4;
	s13 =	ssub.s32 s29, s13  }
0x11: {  	s4 =	sadd.s32 s12, s2;
	s31 =	sshrl.u32 s30, $0x3;
	s12 =	simm.s32 $0x2  }
0x12: {  	s5 =	sadd.s32 s5, s10;
	s6 =	sadd.s32 s6, s10;
	s7 =	sadd.s32 s7, s10  }
0x13: {  	s8 =	sadd.s32 $0x400, s11;
	s9 =	sadd.s32 s9, s31;
	s10 =	smax.u32 s13, $0x1  }
0x14: {  	v0 =	vimm.f32 $0.0e+00;
	s11 =	simm.s32 $0xB700;
	s13 =	simm.s32 $0x2780;
	s19 =	sshrl.u32 s4, $0x3  }
.LBB2_1:
0x15: {  	[tilespmem:$0xB700] =	vst v0  }
0x16: {  	[tilespmem:$0xB710] =	vst v0  }
0x17: {  	[tilespmem:$0xB720] =	vst v0  }
0x18: {  	[tilespmem:$0xB730] =	vst v0  }
0x19: {  	[tilespmem:$0xB740] =	vst v0  }
0x1a: {  	[tilespmem:$0xB750] =	vst v0  }
0x1b: {  	[tilespmem:$0xB760] =	vst v0  }
0x1c: {  	[tilespmem:$0xB770] =	vst v0  }
0x1d: {  	[tilespmem:$0xB780] =	vst v0  }
0x1e: {  	[tilespmem:$0xB790] =	vst v0  }
0x1f: {  	[tilespmem:$0xB7A0] =	vst v0  }
0x20: {  	[tilespmem:$0xB7B0] =	vst v0  }
0x21: {  	[tilespmem:$0xB7C0] =	vst v0  }
0x22: {  	[tilespmem:$0xB7D0] =	vst v0  }
0x23: {  	[tilespmem:$0xB7E0] =	vst v0  }
0x24: {  	[tilespmem:$0xB7F0] =	vst v0  }
0x25: {  	[tilespmem:$0xB800] =	vst v0  }
0x26: {  	[tilespmem:$0xB810] =	vst v0  }
0x27: {  	[tilespmem:$0xB820] =	vst v0  }
0x28: {  	[tilespmem:$0xB830] =	vst v0  }
0x29: {  	[tilespmem:$0xB840] =	vst v0  }
0x2a: {  	[tilespmem:$0xB850] =	vst v0  }
0x2b: {  	[tilespmem:$0xB860] =	vst v0  }
0x2c: {  	[tilespmem:$0xB870] =	vst v0  }
0x2d: {  	[tilespmem:$0xB880] =	vst v0  }
0x2e: {  	[tilespmem:$0xB890] =	vst v0  }
0x2f: {  	[tilespmem:$0xB8A0] =	vst v0  }
0x30: {  	[tilespmem:$0xB8B0] =	vst v0  }
0x31: {  	[tilespmem:$0xB8C0] =	vst v0  }
0x32: {  	[tilespmem:$0xB8D0] =	vst v0  }
0x33: {  	[tilespmem:$0xB8E0] =	vst v0  }
0x34: {  	[tilespmem:$0xB8F0] =	vst v0  }
0x35: {  	[tilespmem:$0xB900] =	vst v0  }
0x36: {  	[tilespmem:$0xB910] =	vst v0  }
0x37: {  	[tilespmem:$0xB920] =	vst v0  }
0x38: {  	[tilespmem:$0xB930] =	vst v0  }
0x39: {  	[tilespmem:$0xB940] =	vst v0  }
0x3a: {  	[tilespmem:$0xB950] =	vst v0  }
0x3b: {  	[tilespmem:$0xB960] =	vst v0  }
0x3c: {  	[tilespmem:$0xB970] =	vst v0  }
0x3d: {  	[spmem:s4] =	stream.linear.scatter [tilespmem:s11], [sflag:$0x2], $0x280, $0x38;
	[tilespmem:$0xBC00] =	vst v63  }
0x3e: {  	_ =	swait.ge [sflag:s12], $0x280  }
0x3f: {  	[sflag:s12] =	ssyncset.done $0x0  }
0x40: {  	[sflag:s12] =	ssyncadd.s32 $0xFFFFFD80  }
0x41: {  	[bflag:$0x0] =	sbarrier.arrive $0xFFFF  }
0x42: {  	[tilespmem:s3], [sflag:$0x1] =	stream.linear.gather [hbm4b:s5+s3], $0x2710, $0x38;
	[tilespmem:$0xBC00] =	vst v63  }
0x43: {  	_ = 	snop  }
0x44: {  	[tilespmem:s13], [sflag:$0x1] =	stream.linear.gather [hbm4b:s6+s3], $0x2710, $0x38;
	[tilespmem:$0xBC00] =	vst v63  }
0x45: {  	_ = 	snop  }
0x46: {  	[tilespmem:s14], [sflag:$0x1] =	stream.linear.gather [hbm4b:s7+s3], $0x2710, $0x38;
	[tilespmem:$0xBC00] =	vst v63  }
0x47: {  	s23 =	simm.s32 $0x7680  }
0x48: {  	[tilespmem:s23], [sflag:$0x1] =	stream.linear.gather [hbm4b:s8+s3], $0x3E80, $0x38;
	[tilespmem:$0xBC00] =	vst v63  }
0x49: {  	_ =	swait.ge [sflag:s15], $0x2710  }
0x4a: {  	[sflag:s15] =	ssyncset.done $0x0  }
0x4b: {  	[sflag:s15] =	ssyncadd.s32 $0xFFFFD8F0  }
0x4c: {  	_ =	swait.ge [sflag:s15], $0x2710  }
0x4d: {  	[sflag:s15] =	ssyncset.done $0x0  }
0x4e: {  	[sflag:s15] =	ssyncadd.s32 $0xFFFFD8F0  }
0x4f: {  	_ =	swait.ge [sflag:s15], $0x2710  }
0x50: {  	[sflag:s15] =	ssyncset.done $0x0  }
0x51: {  	[sflag:s15] =	ssyncadd.s32 $0xFFFFD8F0  }
0x52: {  	_ =	swait.ge [sflag:s15], $0x3E80  }
0x53: {  	[sflag:s15] =	ssyncset.done $0x0  }
0x54: {  	s25 =	simm.s32 $0x0;
	[sflag:s15] =	ssyncadd.s32 $0xFFFFC180  }
0x55: {  	v1 =	vld [tilespmem:s25+$0x0]  }
0x56: {  	v2 =	vld [tilespmem:s25+$0x2780]  }
0x57: {  	v3 =	vld [tilespmem:s25+$0x4F00];
	_ =	sdelay $0x3  }
0x58: {  	vm0 =	veq.s32 v1, v2  }
0x59: {  	v1 =	vsel vm0, $0x0, v3  }
0x5a: {  	[tilespmem:$0xB680] =	vst v1  }
0x5b: {  	v1 =	vld [tilespmem:s25+$0x10]  }
0x5c: {  	v2 =	vld [tilespmem:s25+$0x2790]  }
0x5d: {  	v3 =	vld [tilespmem:s25+$0x4F10];
	_ =	sdelay $0x3  }
0x5e: {  	vm13 =	veq.s32 v1, v2  }
0x5f: {  	v1 =	vsel vm13, $0x0, v3  }
0x60: {  	[tilespmem:$0xB690] =	vst v1  }
0x61: {  	v1 =	vld [tilespmem:s25+$0x20]  }
0x62: {  	v2 =	vld [tilespmem:s25+$0x27A0]  }
0x63: {  	v3 =	vld [tilespmem:s25+$0x4F20];
	_ =	sdelay $0x3  }
0x64: {  	vm14 =	veq.s32 v1, v2  }
0x65: {  	v1 =	vsel vm14, $0x0, v3  }
0x66: {  	[tilespmem:$0xB6A0] =	vst v1  }
0x67: {  	v1 =	vld [tilespmem:s25+$0x30]  }
0x68: {  	v2 =	vld [tilespmem:s25+$0x27B0]  }
0x69: {  	v3 =	vld [tilespmem:s25+$0x4F30];
	_ =	sdelay $0x3  }
0x6a: {  	vm15 =	veq.s32 v1, v2  }
0x6b: {  	v1 =	vsel vm15, $0x0, v3  }
0x6c: {  	[tilespmem:$0xB6B0] =	vst v1  }
0x6d: {  	v1 =	vld [tilespmem:s25+$0x40]  }
0x6e: {  	v3 =	vld [tilespmem:s25+$0x27C0]  }
0x6f: {  	s24 =	simm.s32 $0x140;
	v2 =	vld [tilespmem:s25+$0x4F40];
	s25 =	simm.s32 $0x7680  }
.LBB2_2:
0x70: {  	_ =	sdelay $0x1  }
0x71: {  	p0 =	sne.s32 s24, $0x9B00  }
0x72: {  	s23 =	sadd.s32 $0x80, s23;
	s26 =	smov.u32 s24;
	s24 =	sadd.s32 $0x140, s24;
	vm0 =	veq.s32 v1, v3  }
0x73: {  	v1 =	vsel vm0, $0x0, v2  }
0x74: {  	[tilespmem:$0xB6C0] =	vst v1  }
0x75: {  	[spmem:s2] =	stream.indirect.scatter.add.f32 [tilespmem:s17], [sflag:$0x2], $0x1, s25, s16, $0xb8;
	[tilespmem:$0xBC00] =	vst v63  }
0x76: {  	s25 =	smov.u32 s23;
	_ =	swait.ge [sflag:s12], $0x50  }
0x77: {  	s26 =	sshra.s32 s26, $0x2;
	[sflag:s12] =	ssyncset.done $0x0  }
0x78: {  	[sflag:s12] =	ssyncadd.s32 $0xFFFFFFB0  }
0x79: {  	v1 =	vld [tilespmem:s26+$0x0]  }
0x7a: {  	v2 =	vld [tilespmem:s26+$0x2780]  }
0x7b: {  	v3 =	vld [tilespmem:s26+$0x4F00];
	_ =	sdelay $0x3  }
0x7c: {  	vm0 =	veq.s32 v1, v2  }
0x7d: {  	v1 =	vsel vm0, $0x0, v3  }
0x7e: {  	[tilespmem:$0xB680] =	vst v1  }
0x7f: {  	v1 =	vld [tilespmem:s26+$0x10]  }
0x80: {  	v2 =	vld [tilespmem:s26+$0x2790]  }
0x81: {  	v3 =	vld [tilespmem:s26+$0x4F10];
	_ =	sdelay $0x3  }
0x82: {  	vm0 =	veq.s32 v1, v2  }
0x83: {  	v1 =	vsel vm0, $0x0, v3  }
0x84: {  	[tilespmem:$0xB690] =	vst v1  }
0x85: {  	v1 =	vld [tilespmem:s26+$0x20]  }
0x86: {  	v2 =	vld [tilespmem:s26+$0x27A0]  }
0x87: {  	v3 =	vld [tilespmem:s26+$0x4F20];
	_ =	sdelay $0x3  }
0x88: {  	vm0 =	veq.s32 v1, v2  }
0x89: {  	v1 =	vsel vm0, $0x0, v3  }
0x8a: {  	[tilespmem:$0xB6A0] =	vst v1  }
0x8b: {  	v1 =	vld [tilespmem:s26+$0x30]  }
0x8c: {  	v2 =	vld [tilespmem:s26+$0x27B0]  }
0x8d: {  	v3 =	vld [tilespmem:s26+$0x4F30];
	_ =	sdelay $0x3  }
0x8e: {  	vm0 =	veq.s32 v1, v2  }
.Ltmp0:
0x8f: {  	v1 =	vsel vm0, $0x0, v3;
	(pc) =	sbr.rel @p0 .LBB2_2-.Ltmp0, $4  }
0x90: {  	[tilespmem:$0xB6B0] =	vst v1  }
0x91: {  	v1 =	vld [tilespmem:s26+$0x40]  }
0x92: {  	v3 =	vld [tilespmem:s26+$0x27C0]  }
0x93: {  	v2 =	vld [tilespmem:s26+$0x4F40]  }
0x94: {  	_ =	sdelay $0x2  }
0x95: {  	vm0 =	veq.s32 v1, v3  }
0x96: {  	v1 =	vsel vm0, $0x0, v2  }
0x97: {  	[tilespmem:$0xB6C0] =	vst v1  }
0x98: {  	[spmem:s2] =	stream.indirect.scatter.add.f32 [tilespmem:s17], [sflag:$0x2], $0x1, s25, s16, $0xb8;
	[tilespmem:$0xBC00] =	vst v63  }
0x99: {  	_ =	swait.ge [sflag:s12], $0x50  }
0x9a: {  	s22 =	sadd.s32 $0x1, s22;
	[sflag:s12] =	ssyncset.done $0x0  }
0x9b: {  	p0 =	sne.s32 s22, s10;
	[sflag:s12] =	ssyncadd.s32 $0xFFFFFFB0  }
.Ltmp1:
0x9c: {  	[bflag:$0x0] =	sbarrier.arrive $0xFFFF;
	(pc) =	sbr.rel @p0 .LBB2_1-.Ltmp1, $4  }
0x9d: {  	[hbm:s9@s20], [sflag:s18] =	dma.strided [spmem:s19@s21], $0x50, s15, $0x10   }
0x9e: {  	_ =	swait.ge [sflag:s12], $0x50  }
0x9f: {  	[sflag:s12] =	ssyncset.done $0x0  }
0xa0: {  	[sflag:s12] =	ssyncadd.s32 $0xFFFFFFB0  }
0xa1: {  	_ =	sfence.sel $0x180000  }
0xa2: {  	[bflag:$0x0] =	sbarrier.arrive $0xFFFF  }
0xa3: {  	p0 =	sne.s32 s1, $0x0;
	_ =	strace $0x90000047  }
0xa4: {  	s0 =	sadd.s32 @!p0 $0x100000, s0;
	[bflag:$0x2] =	sbarrier.arrive $0xFFFF  }
0xa5: {  	[sflag:s0] =	ssyncadd.tile.s32 @!p0 $0x1;
	_ =	shalt  }
.Lfunc_end2:
_tile_overlayer_lowered:
.L_overlay_start_2:
0xa6: {  	(tag) =	ssettag $0x2  }
0xa7: {  	s0 =	rddreg [dreg:$0x0];
	s2 =	stileid.u32  }
0xa8: {  	s1 =	rddreg [dreg:$0x1];
	p0 =	sne.s32 s2, $0x0  }
0xa9: {  	s3 =	rddreg [dreg:$0x2];
	[bflag:$0x3] =	sbarrier.arrive $0xFFFF;
	s2 =	simm.s32 @!p0 $0x1C02  }
0xaa: {  	[timem:s3], [sflag:s2] =	dma.local @!p0 [hbm:s0], s1  }
0xab: {  	s0 =	simm.s32 @!p0 $0x2  }
0xac: {  	_ =	swait.ge @!p0 [sflag:s0], s1  }
0xad: {  	s1 =	ssub.s32 @!p0 $0x0, s1;
	[sflag:s0] =	ssyncset.done @!p0 $0x0  }
0xae: {  	[sflag:s0] =	ssyncadd.s32 @!p0 s1  }
0xaf: {  	[bflag:$0x3] =	sbarrier.arrive $0xFFFF  }
0xb0: {  	_ =	shalt  }

</sc_bundles>
